<compile_context>
chip_gen: v7x
topology: tpu7x:2x2x1
jax: 0.10.2.dev20260603
libtpu: 0.0.44.dev20260713+nightly
codegen_flags: <defaults>
</compile_context>

<pallas_src>
import functools

import jax
import jax.numpy as jnp
from jax import lax
from jax.experimental import pallas as pl
from jax.experimental.pallas import tpu as pltpu
from jax.experimental.pallas import tpu_sc as plsc

BATCH = 16384
TOPIC_DIM = 128
SUBTOPIC_DIM = 64
OUT_DIM = TOPIC_DIM + SUBTOPIC_DIM
CHUNK = 128


@functools.cache
def _build():
    info = plsc.get_sparse_core_info()
    num_workers = info.num_cores * info.num_subcores
    rows_per_worker = BATCH // num_workers
    n_chunks = rows_per_worker // CHUNK
    mesh = plsc.VectorSubcoreMesh(core_axis_name="c", subcore_axis_name="s")

    scratch = [
        pltpu.VMEM((rows_per_worker,), jnp.int32),
        pltpu.VMEM((rows_per_worker,), jnp.int32),
        pltpu.VMEM((rows_per_worker, TOPIC_DIM), jnp.float32),
        pltpu.VMEM((rows_per_worker, SUBTOPIC_DIM), jnp.float32),
        pltpu.SemaphoreType.DMA,
        pltpu.SemaphoreType.DMA,
        pltpu.SemaphoreType.DMA,
    ]

    @functools.partial(
        pl.kernel,
        mesh=mesh,
        out_type=jax.ShapeDtypeStruct((BATCH, OUT_DIM), jnp.float32),
        scratch_types=scratch,
        compiler_params=pltpu.CompilerParams(use_tc_tiling_on_sc=False),
    )
    def enc(t_idx_hbm, s_idx_hbm, t_tab_hbm, s_tab_hbm, out_hbm,
            t_idx_v, s_idx_v, t_rows, s_rows, t_sem, s_sem, w_sem):
        wid = lax.axis_index("s") * info.num_cores + lax.axis_index("c")
        base = wid * rows_per_worker

        pltpu.sync_copy(t_idx_hbm.at[pl.ds(base, rows_per_worker)], t_idx_v)
        pltpu.sync_copy(s_idx_hbm.at[pl.ds(base, rows_per_worker)], s_idx_v)

        t_cps = []
        s_cps = []
        for c in range(n_chunks):
            rows = pl.ds(c * CHUNK, CHUNK)
            t_cps.append(pltpu.async_copy(
                t_tab_hbm.at[t_idx_v.at[rows]], t_rows.at[rows], t_sem))
            s_cps.append(pltpu.async_copy(
                s_tab_hbm.at[s_idx_v.at[rows]], s_rows.at[rows], s_sem))

        for cp in t_cps:
            cp.wait()
        w1 = pltpu.async_copy(
            t_rows,
            out_hbm.at[pl.ds(base, rows_per_worker), pl.ds(0, TOPIC_DIM)],
            w_sem)
        for cp in s_cps:
            cp.wait()
        w2 = pltpu.async_copy(
            s_rows,
            out_hbm.at[pl.ds(base, rows_per_worker),
                       pl.ds(TOPIC_DIM, SUBTOPIC_DIM)],
            w_sem)
        w1.wait()
        w2.wait()

    return enc


def kernel(topic, subtopic, topic_table, subtopic_table):
    enc = _build()
    return enc(topic.astype(jnp.int32), subtopic.astype(jnp.int32),
               topic_table, subtopic_table)

# --- scband reference (transcript-rebuilt; emitter-appended) ---
"""Pipeline reference for scband-topic-encoder-9766755631704 (READ-ONLY COPY).

The authoritative reference and input builder live on the scoring server;
editing this copy changes nothing except your own understanding.
"""

import jax, jax.numpy as jnp
import numpy as np

TOPIC_SIZE = 1000
SUBTOPIC_SIZE = 100000
TOPIC_DIM = 128
SUBTOPIC_DIM = 64
BATCH = 16384


def setup_inputs(seed: int = 0) -> dict:
    key = jax.random.key(seed)
    k1, k2, k3, k4 = jax.random.split(key, 4)
    topic = jax.random.randint(k1, (BATCH,), 0, TOPIC_SIZE, dtype=jnp.int64 if jax.config.jax_enable_x64 else jnp.int32)
    subtopic = jax.random.randint(k2, (BATCH,), 0, SUBTOPIC_SIZE, dtype=jnp.int64 if jax.config.jax_enable_x64 else jnp.int32)
    topic_table = jax.random.normal(k3, (TOPIC_SIZE, TOPIC_DIM), dtype=jnp.float32)
    subtopic_table = jax.random.normal(k4, (SUBTOPIC_SIZE, SUBTOPIC_DIM), dtype=jnp.float32)
    # padding_idx=0: row 0 is zeros in torch nn.Embedding
    topic_table = topic_table.at[0].set(0.0)
    subtopic_table = subtopic_table.at[0].set(0.0)
    return {"topic": topic, "subtopic": subtopic, "topic_table": topic_table, "subtopic_table": subtopic_table}


def reference(topic, subtopic, topic_table, subtopic_table):
    # emulate padding_idx=0 (row 0 contributes zeros)
    tt = topic_table.at[0].set(0.0)
    st = subtopic_table.at[0].set(0.0)
    t_emb = jnp.take(tt, topic, axis=0)          # [B, TOPIC_DIM]
    s_emb = jnp.take(st, subtopic, axis=0)       # [B, SUBTOPIC_DIM]
    return jnp.concatenate([t_emb, s_emb], axis=1)  # th.hstack on 2D == concat dim=1

if __name__ == "__main__":
    import jax
    _d = setup_inputs()
    print(jax.jit(kernel)(*tuple(_d.values())))

</pallas_src>

<mosaic_0001>
#map = affine_map<(d0, d1) -> (0)>
#map1 = affine_map<(d0, d1) -> (0, 0)>
module attributes {stable_mosaic.version = 14 : i64} {
  func.func @enc(%arg0: i32, %arg1: i32, %arg2: memref<16384xi32, #tpu.memory_space<hbm>>, %arg3: memref<16384xi32, #tpu.memory_space<hbm>>, %arg4: memref<1000x128xf32, #tpu.memory_space<hbm>>, %arg5: memref<100000x64xf32, #tpu.memory_space<hbm>>, %arg6: memref<16384x192xf32, #tpu.memory_space<hbm>>, %arg7: memref<512xi32, #tpu.memory_space<vmem>>, %arg8: memref<512xi32, #tpu.memory_space<vmem>>, %arg9: memref<512x128xf32, #tpu.memory_space<vmem>>, %arg10: memref<512x64xf32, #tpu.memory_space<vmem>>, %arg11: memref<!tpu.dma_semaphore, #tpu.memory_space<semaphore_mem>>, %arg12: memref<!tpu.dma_semaphore, #tpu.memory_space<semaphore_mem>>, %arg13: memref<!tpu.dma_semaphore, #tpu.memory_space<semaphore_mem>>) attributes {dimension_semantics = [#tpu.dimension_semantics<core_parallel>, #tpu.dimension_semantics<subcore_parallel>], iteration_bounds = array<i64: 2, 16>, scalar_prefetch = 0 : i64, scratch_operands = 7 : i64, tpu.core_type = #tpu.core_type<sc_vector_subcore>, window_params = [{transform_indices = #map}, {transform_indices = #map}, {transform_indices = #map1}, {transform_indices = #map1}, {transform_indices = #map1}]} {
    %mul3A = arith.constant 2 : i32
    %mul3A_0 = arith.muli %arg1, %mul3A : i32
    %add3A = arith.addi %mul3A_0, %arg0 : i32
    %mul3A_1 = arith.constant 512 : i32
    %mul3A_2 = arith.muli %add3A, %mul3A_1 : i32
    "tpu.region"() ({
      %run_scoped3A = tpu.sem_alloc : memref<!tpu.dma_semaphore, #tpu.memory_space<semaphore_mem>>
      %dma_start3A_145 = tpu.memref_slice %arg2[%mul3A_2] : memref<16384xi32, #tpu.memory_space<hbm>> -> memref<512xi32, #tpu.memory_space<hbm>>
      %dma_start3A_146 = tpu.memref_slice %arg2[%mul3A_2] : memref<16384xi32, #tpu.memory_space<hbm>> -> memref<512xi32, #tpu.memory_space<hbm>>
      tpu.enqueue_dma source(%dma_start3A_146 : memref<512xi32, #tpu.memory_space<hbm>>) target(%arg7 : memref<512xi32, #tpu.memory_space<vmem>>) target_semaphore(%run_scoped3A : memref<!tpu.dma_semaphore, #tpu.memory_space<semaphore_mem>>)
      %dma_wait3A_147 = tpu.memref_slice %arg2[%mul3A_2] : memref<16384xi32, #tpu.memory_space<hbm>> -> memref<512xi32, #tpu.memory_space<hbm>>
      %dma_wait3A_148 = tpu.memref_slice %arg2[%mul3A_2] : memref<16384xi32, #tpu.memory_space<hbm>> -> memref<512xi32, #tpu.memory_space<hbm>>
      tpu.wait_dma2 semaphore(%run_scoped3A : memref<!tpu.dma_semaphore, #tpu.memory_space<semaphore_mem>>) src(%dma_wait3A_148 : memref<512xi32, #tpu.memory_space<hbm>>) dst(%arg7 : memref<512xi32, #tpu.memory_space<vmem>>)
      tpu.yield
    }) : () -> ()
    "tpu.region"() ({
      %run_scoped3A = tpu.sem_alloc : memref<!tpu.dma_semaphore, #tpu.memory_space<semaphore_mem>>
      %dma_start3A_145 = tpu.memref_slice %arg3[%mul3A_2] : memref<16384xi32, #tpu.memory_space<hbm>> -> memref<512xi32, #tpu.memory_space<hbm>>
      %dma_start3A_146 = tpu.memref_slice %arg3[%mul3A_2] : memref<16384xi32, #tpu.memory_space<hbm>> -> memref<512xi32, #tpu.memory_space<hbm>>
      tpu.enqueue_dma source(%dma_start3A_146 : memref<512xi32, #tpu.memory_space<hbm>>) target(%arg8 : memref<512xi32, #tpu.memory_space<vmem>>) target_semaphore(%run_scoped3A : memref<!tpu.dma_semaphore, #tpu.memory_space<semaphore_mem>>)
      %dma_wait3A_147 = tpu.memref_slice %arg3[%mul3A_2] : memref<16384xi32, #tpu.memory_space<hbm>> -> memref<512xi32, #tpu.memory_space<hbm>>
      %dma_wait3A_148 = tpu.memref_slice %arg3[%mul3A_2] : memref<16384xi32, #tpu.memory_space<hbm>> -> memref<512xi32, #tpu.memory_space<hbm>>
      tpu.wait_dma2 semaphore(%run_scoped3A : memref<!tpu.dma_semaphore, #tpu.memory_space<semaphore_mem>>) src(%dma_wait3A_148 : memref<512xi32, #tpu.memory_space<hbm>>) dst(%arg8 : memref<512xi32, #tpu.memory_space<vmem>>)
      tpu.yield
    }) : () -> ()
    %dma_start3A = arith.constant 0 : i32
    %dma_start3A_3 = arith.constant 0 : i32
    %dma_start3A_4 = tpu.memref_slice %arg9[%dma_start3A, %dma_start3A_3] : memref<512x128xf32, #tpu.memory_space<vmem>> -> memref<128x128xf32, #tpu.memory_space<vmem>>
    %dma_start3A_5 = arith.constant 0 : i32
    %dma_start3A_6 = tpu.memref_slice %arg7[%dma_start3A_5] : memref<512xi32, #tpu.memory_space<vmem>> -> memref<128xi32, #tpu.memory_space<vmem>>
    %dma_start3A_7 = arith.constant 0 : i32
    %dma_start3A_8 = arith.constant 0 : i32
    %dma_start3A_9 = tpu.memref_slice %arg4[%dma_start3A_7, %dma_start3A_8] : memref<1000x128xf32, #tpu.memory_space<hbm>> -> memref<1000x128xf32, #tpu.memory_space<hbm>>
    tpu.enqueue_indirect_dma source(%dma_start3A_9 : memref<1000x128xf32, #tpu.memory_space<hbm>>) target(%dma_start3A_4 : memref<128x128xf32, #tpu.memory_space<vmem>>) offsets(%dma_start3A_6 : memref<128xi32, #tpu.memory_space<vmem>>) semaphore(%arg11 : memref<!tpu.dma_semaphore, #tpu.memory_space<semaphore_mem>>)
    %dma_start3A_10 = arith.constant 0 : i32
    %dma_start3A_11 = arith.constant 0 : i32
    %dma_start3A_12 = tpu.memref_slice %arg10[%dma_start3A_10, %dma_start3A_11] : memref<512x64xf32, #tpu.memory_space<vmem>> -> memref<128x64xf32, #tpu.memory_space<vmem>>
    %dma_start3A_13 = arith.constant 0 : i32
    %dma_start3A_14 = tpu.memref_slice %arg8[%dma_start3A_13] : memref<512xi32, #tpu.memory_space<vmem>> -> memref<128xi32, #tpu.memory_space<vmem>>
    %dma_start3A_15 = arith.constant 0 : i32
    %dma_start3A_16 = arith.constant 0 : i32
    %dma_start3A_17 = tpu.memref_slice %arg5[%dma_start3A_15, %dma_start3A_16] : memref<100000x64xf32, #tpu.memory_space<hbm>> -> memref<100000x64xf32, #tpu.memory_space<hbm>>
    tpu.enqueue_indirect_dma source(%dma_start3A_17 : memref<100000x64xf32, #tpu.memory_space<hbm>>) target(%dma_start3A_12 : memref<128x64xf32, #tpu.memory_space<vmem>>) offsets(%dma_start3A_14 : memref<128xi32, #tpu.memory_space<vmem>>) semaphore(%arg12 : memref<!tpu.dma_semaphore, #tpu.memory_space<semaphore_mem>>)
    %dma_start3A_18 = arith.constant 128 : i32
    %dma_start3A_19 = arith.constant 0 : i32
    %dma_start3A_20 = tpu.memref_slice %arg9[%dma_start3A_18, %dma_start3A_19] : memref<512x128xf32, #tpu.memory_space<vmem>> -> memref<128x128xf32, #tpu.memory_space<vmem>>
    %dma_start3A_21 = arith.constant 128 : i32
    %dma_start3A_22 = tpu.memref_slice %arg7[%dma_start3A_21] : memref<512xi32, #tpu.memory_space<vmem>> -> memref<128xi32, #tpu.memory_space<vmem>>
    %dma_start3A_23 = arith.constant 0 : i32
    %dma_start3A_24 = arith.constant 0 : i32
    %dma_start3A_25 = tpu.memref_slice %arg4[%dma_start3A_23, %dma_start3A_24] : memref<1000x128xf32, #tpu.memory_space<hbm>> -> memref<1000x128xf32, #tpu.memory_space<hbm>>
    tpu.enqueue_indirect_dma source(%dma_start3A_25 : memref<1000x128xf32, #tpu.memory_space<hbm>>) target(%dma_start3A_20 : memref<128x128xf32, #tpu.memory_space<vmem>>) offsets(%dma_start3A_22 : memref<128xi32, #tpu.memory_space<vmem>>) semaphore(%arg11 : memref<!tpu.dma_semaphore, #tpu.memory_space<semaphore_mem>>)
    %dma_start3A_26 = arith.constant 128 : i32
    %dma_start3A_27 = arith.constant 0 : i32
    %dma_start3A_28 = tpu.memref_slice %arg10[%dma_start3A_26, %dma_start3A_27] : memref<512x64xf32, #tpu.memory_space<vmem>> -> memref<128x64xf32, #tpu.memory_space<vmem>>
    %dma_start3A_29 = arith.constant 128 : i32
    %dma_start3A_30 = tpu.memref_slice %arg8[%dma_start3A_29] : memref<512xi32, #tpu.memory_space<vmem>> -> memref<128xi32, #tpu.memory_space<vmem>>
    %dma_start3A_31 = arith.constant 0 : i32
    %dma_start3A_32 = arith.constant 0 : i32
    %dma_start3A_33 = tpu.memref_slice %arg5[%dma_start3A_31, %dma_start3A_32] : memref<100000x64xf32, #tpu.memory_space<hbm>> -> memref<100000x64xf32, #tpu.memory_space<hbm>>
    tpu.enqueue_indirect_dma source(%dma_start3A_33 : memref<100000x64xf32, #tpu.memory_space<hbm>>) target(%dma_start3A_28 : memref<128x64xf32, #tpu.memory_space<vmem>>) offsets(%dma_start3A_30 : memref<128xi32, #tpu.memory_space<vmem>>) semaphore(%arg12 : memref<!tpu.dma_semaphore, #tpu.memory_space<semaphore_mem>>)
    %dma_start3A_34 = arith.constant 256 : i32
    %dma_start3A_35 = arith.constant 0 : i32
    %dma_start3A_36 = tpu.memref_slice %arg9[%dma_start3A_34, %dma_start3A_35] : memref<512x128xf32, #tpu.memory_space<vmem>> -> memref<128x128xf32, #tpu.memory_space<vmem>>
    %dma_start3A_37 = arith.constant 256 : i32
    %dma_start3A_38 = tpu.memref_slice %arg7[%dma_start3A_37] : memref<512xi32, #tpu.memory_space<vmem>> -> memref<128xi32, #tpu.memory_space<vmem>>
    %dma_start3A_39 = arith.constant 0 : i32
    %dma_start3A_40 = arith.constant 0 : i32
    %dma_start3A_41 = tpu.memref_slice %arg4[%dma_start3A_39, %dma_start3A_40] : memref<1000x128xf32, #tpu.memory_space<hbm>> -> memref<1000x128xf32, #tpu.memory_space<hbm>>
    tpu.enqueue_indirect_dma source(%dma_start3A_41 : memref<1000x128xf32, #tpu.memory_space<hbm>>) target(%dma_start3A_36 : memref<128x128xf32, #tpu.memory_space<vmem>>) offsets(%dma_start3A_38 : memref<128xi32, #tpu.memory_space<vmem>>) semaphore(%arg11 : memref<!tpu.dma_semaphore, #tpu.memory_space<semaphore_mem>>)
    %dma_start3A_42 = arith.constant 256 : i32
    %dma_start3A_43 = arith.constant 0 : i32
    %dma_start3A_44 = tpu.memref_slice %arg10[%dma_start3A_42, %dma_start3A_43] : memref<512x64xf32, #tpu.memory_space<vmem>> -> memref<128x64xf32, #tpu.memory_space<vmem>>
    %dma_start3A_45 = arith.constant 256 : i32
    %dma_start3A_46 = tpu.memref_slice %arg8[%dma_start3A_45] : memref<512xi32, #tpu.memory_space<vmem>> -> memref<128xi32, #tpu.memory_space<vmem>>
    %dma_start3A_47 = arith.constant 0 : i32
    %dma_start3A_48 = arith.constant 0 : i32
    %dma_start3A_49 = tpu.memref_slice %arg5[%dma_start3A_47, %dma_start3A_48] : memref<100000x64xf32, #tpu.memory_space<hbm>> -> memref<100000x64xf32, #tpu.memory_space<hbm>>
    tpu.enqueue_indirect_dma source(%dma_start3A_49 : memref<100000x64xf32, #tpu.memory_space<hbm>>) target(%dma_start3A_44 : memref<128x64xf32, #tpu.memory_space<vmem>>) offsets(%dma_start3A_46 : memref<128xi32, #tpu.memory_space<vmem>>) semaphore(%arg12 : memref<!tpu.dma_semaphore, #tpu.memory_space<semaphore_mem>>)
    %dma_start3A_50 = arith.constant 384 : i32
    %dma_start3A_51 = arith.constant 0 : i32
    %dma_start3A_52 = tpu.memref_slice %arg9[%dma_start3A_50, %dma_start3A_51] : memref<512x128xf32, #tpu.memory_space<vmem>> -> memref<128x128xf32, #tpu.memory_space<vmem>>
    %dma_start3A_53 = arith.constant 384 : i32
    %dma_start3A_54 = tpu.memref_slice %arg7[%dma_start3A_53] : memref<512xi32, #tpu.memory_space<vmem>> -> memref<128xi32, #tpu.memory_space<vmem>>
    %dma_start3A_55 = arith.constant 0 : i32
    %dma_start3A_56 = arith.constant 0 : i32
    %dma_start3A_57 = tpu.memref_slice %arg4[%dma_start3A_55, %dma_start3A_56] : memref<1000x128xf32, #tpu.memory_space<hbm>> -> memref<1000x128xf32, #tpu.memory_space<hbm>>
    tpu.enqueue_indirect_dma source(%dma_start3A_57 : memref<1000x128xf32, #tpu.memory_space<hbm>>) target(%dma_start3A_52 : memref<128x128xf32, #tpu.memory_space<vmem>>) offsets(%dma_start3A_54 : memref<128xi32, #tpu.memory_space<vmem>>) semaphore(%arg11 : memref<!tpu.dma_semaphore, #tpu.memory_space<semaphore_mem>>)
    %dma_start3A_58 = arith.constant 384 : i32
    %dma_start3A_59 = arith.constant 0 : i32
    %dma_start3A_60 = tpu.memref_slice %arg10[%dma_start3A_58, %dma_start3A_59] : memref<512x64xf32, #tpu.memory_space<vmem>> -> memref<128x64xf32, #tpu.memory_space<vmem>>
    %dma_start3A_61 = arith.constant 384 : i32
    %dma_start3A_62 = tpu.memref_slice %arg8[%dma_start3A_61] : memref<512xi32, #tpu.memory_space<vmem>> -> memref<128xi32, #tpu.memory_space<vmem>>
    %dma_start3A_63 = arith.constant 0 : i32
    %dma_start3A_64 = arith.constant 0 : i32
    %dma_start3A_65 = tpu.memref_slice %arg5[%dma_start3A_63, %dma_start3A_64] : memref<100000x64xf32, #tpu.memory_space<hbm>> -> memref<100000x64xf32, #tpu.memory_space<hbm>>
    tpu.enqueue_indirect_dma source(%dma_start3A_65 : memref<100000x64xf32, #tpu.memory_space<hbm>>) target(%dma_start3A_60 : memref<128x64xf32, #tpu.memory_space<vmem>>) offsets(%dma_start3A_62 : memref<128xi32, #tpu.memory_space<vmem>>) semaphore(%arg12 : memref<!tpu.dma_semaphore, #tpu.memory_space<semaphore_mem>>)
    %dma_wait3A = arith.constant 0 : i32
    %dma_wait3A_66 = arith.constant 0 : i32
    %dma_wait3A_67 = tpu.memref_slice %arg9[%dma_wait3A, %dma_wait3A_66] : memref<512x128xf32, #tpu.memory_space<vmem>> -> memref<128x128xf32, #tpu.memory_space<vmem>>
    %dma_wait3A_68 = arith.constant 0 : i32
    %dma_wait3A_69 = tpu.memref_slice %arg7[%dma_wait3A_68] : memref<512xi32, #tpu.memory_space<vmem>> -> memref<128xi32, #tpu.memory_space<vmem>>
    %dma_wait3A_70 = arith.constant 0 : i32
    %dma_wait3A_71 = arith.constant 0 : i32
    %dma_wait3A_72 = tpu.memref_slice %arg4[%dma_wait3A_70, %dma_wait3A_71] : memref<1000x128xf32, #tpu.memory_space<hbm>> -> memref<1000x128xf32, #tpu.memory_space<hbm>>
    tpu.wait_indirect_dma semaphore(%arg11 : memref<!tpu.dma_semaphore, #tpu.memory_space<semaphore_mem>>) src(%dma_wait3A_72 : memref<1000x128xf32, #tpu.memory_space<hbm>>) dst(%dma_wait3A_67 : memref<128x128xf32, #tpu.memory_space<vmem>>)
    %dma_wait3A_73 = arith.constant 128 : i32
    %dma_wait3A_74 = arith.constant 0 : i32
    %dma_wait3A_75 = tpu.memref_slice %arg9[%dma_wait3A_73, %dma_wait3A_74] : memref<512x128xf32, #tpu.memory_space<vmem>> -> memref<128x128xf32, #tpu.memory_space<vmem>>
    %dma_wait3A_76 = arith.constant 128 : i32
    %dma_wait3A_77 = tpu.memref_slice %arg7[%dma_wait3A_76] : memref<512xi32, #tpu.memory_space<vmem>> -> memref<128xi32, #tpu.memory_space<vmem>>
    %dma_wait3A_78 = arith.constant 0 : i32
    %dma_wait3A_79 = arith.constant 0 : i32
    %dma_wait3A_80 = tpu.memref_slice %arg4[%dma_wait3A_78, %dma_wait3A_79] : memref<1000x128xf32, #tpu.memory_space<hbm>> -> memref<1000x128xf32, #tpu.memory_space<hbm>>
    tpu.wait_indirect_dma semaphore(%arg11 : memref<!tpu.dma_semaphore, #tpu.memory_space<semaphore_mem>>) src(%dma_wait3A_80 : memref<1000x128xf32, #tpu.memory_space<hbm>>) dst(%dma_wait3A_75 : memref<128x128xf32, #tpu.memory_space<vmem>>)
    %dma_wait3A_81 = arith.constant 256 : i32
    %dma_wait3A_82 = arith.constant 0 : i32
    %dma_wait3A_83 = tpu.memref_slice %arg9[%dma_wait3A_81, %dma_wait3A_82] : memref<512x128xf32, #tpu.memory_space<vmem>> -> memref<128x128xf32, #tpu.memory_space<vmem>>
    %dma_wait3A_84 = arith.constant 256 : i32
    %dma_wait3A_85 = tpu.memref_slice %arg7[%dma_wait3A_84] : memref<512xi32, #tpu.memory_space<vmem>> -> memref<128xi32, #tpu.memory_space<vmem>>
    %dma_wait3A_86 = arith.constant 0 : i32
    %dma_wait3A_87 = arith.constant 0 : i32
    %dma_wait3A_88 = tpu.memref_slice %arg4[%dma_wait3A_86, %dma_wait3A_87] : memref<1000x128xf32, #tpu.memory_space<hbm>> -> memref<1000x128xf32, #tpu.memory_space<hbm>>
    tpu.wait_indirect_dma semaphore(%arg11 : memref<!tpu.dma_semaphore, #tpu.memory_space<semaphore_mem>>) src(%dma_wait3A_88 : memref<1000x128xf32, #tpu.memory_space<hbm>>) dst(%dma_wait3A_83 : memref<128x128xf32, #tpu.memory_space<vmem>>)
    %dma_wait3A_89 = arith.constant 384 : i32
    %dma_wait3A_90 = arith.constant 0 : i32
    %dma_wait3A_91 = tpu.memref_slice %arg9[%dma_wait3A_89, %dma_wait3A_90] : memref<512x128xf32, #tpu.memory_space<vmem>> -> memref<128x128xf32, #tpu.memory_space<vmem>>
    %dma_wait3A_92 = arith.constant 384 : i32
    %dma_wait3A_93 = tpu.memref_slice %arg7[%dma_wait3A_92] : memref<512xi32, #tpu.memory_space<vmem>> -> memref<128xi32, #tpu.memory_space<vmem>>
    %dma_wait3A_94 = arith.constant 0 : i32
    %dma_wait3A_95 = arith.constant 0 : i32
    %dma_wait3A_96 = tpu.memref_slice %arg4[%dma_wait3A_94, %dma_wait3A_95] : memref<1000x128xf32, #tpu.memory_space<hbm>> -> memref<1000x128xf32, #tpu.memory_space<hbm>>
    tpu.wait_indirect_dma semaphore(%arg11 : memref<!tpu.dma_semaphore, #tpu.memory_space<semaphore_mem>>) src(%dma_wait3A_96 : memref<1000x128xf32, #tpu.memory_space<hbm>>) dst(%dma_wait3A_91 : memref<128x128xf32, #tpu.memory_space<vmem>>)
    %dma_start3A_97 = arith.constant 0 : i32
    %dma_start3A_98 = tpu.memref_slice %arg6[%mul3A_2, %dma_start3A_97] : memref<16384x192xf32, #tpu.memory_space<hbm>> -> memref<512x128xf32, #tpu.memory_space<hbm>>
    %dma_start3A_99 = arith.constant 0 : i32
    %dma_start3A_100 = tpu.memref_slice %arg6[%mul3A_2, %dma_start3A_99] : memref<16384x192xf32, #tpu.memory_space<hbm>> -> memref<512x128xf32, #tpu.memory_space<hbm>>
    tpu.enqueue_dma source(%arg9 : memref<512x128xf32, #tpu.memory_space<vmem>>) target(%dma_start3A_100 : memref<512x128xf32, #tpu.memory_space<hbm>>) target_semaphore(%arg13 : memref<!tpu.dma_semaphore, #tpu.memory_space<semaphore_mem>>)
    %dma_wait3A_101 = arith.constant 0 : i32
    %dma_wait3A_102 = arith.constant 0 : i32
    %dma_wait3A_103 = tpu.memref_slice %arg10[%dma_wait3A_101, %dma_wait3A_102] : memref<512x64xf32, #tpu.memory_space<vmem>> -> memref<128x64xf32, #tpu.memory_space<vmem>>
    %dma_wait3A_104 = arith.constant 0 : i32
    %dma_wait3A_105 = tpu.memref_slice %arg8[%dma_wait3A_104] : memref<512xi32, #tpu.memory_space<vmem>> -> memref<128xi32, #tpu.memory_space<vmem>>
    %dma_wait3A_106 = arith.constant 0 : i32
    %dma_wait3A_107 = arith.constant 0 : i32
    %dma_wait3A_108 = tpu.memref_slice %arg5[%dma_wait3A_106, %dma_wait3A_107] : memref<100000x64xf32, #tpu.memory_space<hbm>> -> memref<100000x64xf32, #tpu.memory_space<hbm>>
    tpu.wait_indirect_dma semaphore(%arg12 : memref<!tpu.dma_semaphore, #tpu.memory_space<semaphore_mem>>) src(%dma_wait3A_108 : memref<100000x64xf32, #tpu.memory_space<hbm>>) dst(%dma_wait3A_103 : memref<128x64xf32, #tpu.memory_space<vmem>>)
    %dma_wait3A_109 = arith.constant 128 : i32
    %dma_wait3A_110 = arith.constant 0 : i32
    %dma_wait3A_111 = tpu.memref_slice %arg10[%dma_wait3A_109, %dma_wait3A_110] : memref<512x64xf32, #tpu.memory_space<vmem>> -> memref<128x64xf32, #tpu.memory_space<vmem>>
    %dma_wait3A_112 = arith.constant 128 : i32
    %dma_wait3A_113 = tpu.memref_slice %arg8[%dma_wait3A_112] : memref<512xi32, #tpu.memory_space<vmem>> -> memref<128xi32, #tpu.memory_space<vmem>>
    %dma_wait3A_114 = arith.constant 0 : i32
    %dma_wait3A_115 = arith.constant 0 : i32
    %dma_wait3A_116 = tpu.memref_slice %arg5[%dma_wait3A_114, %dma_wait3A_115] : memref<100000x64xf32, #tpu.memory_space<hbm>> -> memref<100000x64xf32, #tpu.memory_space<hbm>>
    tpu.wait_indirect_dma semaphore(%arg12 : memref<!tpu.dma_semaphore, #tpu.memory_space<semaphore_mem>>) src(%dma_wait3A_116 : memref<100000x64xf32, #tpu.memory_space<hbm>>) dst(%dma_wait3A_111 : memref<128x64xf32, #tpu.memory_space<vmem>>)
    %dma_wait3A_117 = arith.constant 256 : i32
    %dma_wait3A_118 = arith.constant 0 : i32
    %dma_wait3A_119 = tpu.memref_slice %arg10[%dma_wait3A_117, %dma_wait3A_118] : memref<512x64xf32, #tpu.memory_space<vmem>> -> memref<128x64xf32, #tpu.memory_space<vmem>>
    %dma_wait3A_120 = arith.constant 256 : i32
    %dma_wait3A_121 = tpu.memref_slice %arg8[%dma_wait3A_120] : memref<512xi32, #tpu.memory_space<vmem>> -> memref<128xi32, #tpu.memory_space<vmem>>
    %dma_wait3A_122 = arith.constant 0 : i32
    %dma_wait3A_123 = arith.constant 0 : i32
    %dma_wait3A_124 = tpu.memref_slice %arg5[%dma_wait3A_122, %dma_wait3A_123] : memref<100000x64xf32, #tpu.memory_space<hbm>> -> memref<100000x64xf32, #tpu.memory_space<hbm>>
    tpu.wait_indirect_dma semaphore(%arg12 : memref<!tpu.dma_semaphore, #tpu.memory_space<semaphore_mem>>) src(%dma_wait3A_124 : memref<100000x64xf32, #tpu.memory_space<hbm>>) dst(%dma_wait3A_119 : memref<128x64xf32, #tpu.memory_space<vmem>>)
    %dma_wait3A_125 = arith.constant 384 : i32
    %dma_wait3A_126 = arith.constant 0 : i32
    %dma_wait3A_127 = tpu.memref_slice %arg10[%dma_wait3A_125, %dma_wait3A_126] : memref<512x64xf32, #tpu.memory_space<vmem>> -> memref<128x64xf32, #tpu.memory_space<vmem>>
    %dma_wait3A_128 = arith.constant 384 : i32
    %dma_wait3A_129 = tpu.memref_slice %arg8[%dma_wait3A_128] : memref<512xi32, #tpu.memory_space<vmem>> -> memref<128xi32, #tpu.memory_space<vmem>>
    %dma_wait3A_130 = arith.constant 0 : i32
    %dma_wait3A_131 = arith.constant 0 : i32
    %dma_wait3A_132 = tpu.memref_slice %arg5[%dma_wait3A_130, %dma_wait3A_131] : memref<100000x64xf32, #tpu.memory_space<hbm>> -> memref<100000x64xf32, #tpu.memory_space<hbm>>
    tpu.wait_indirect_dma semaphore(%arg12 : memref<!tpu.dma_semaphore, #tpu.memory_space<semaphore_mem>>) src(%dma_wait3A_132 : memref<100000x64xf32, #tpu.memory_space<hbm>>) dst(%dma_wait3A_127 : memref<128x64xf32, #tpu.memory_space<vmem>>)
    %dma_start3A_133 = arith.constant 128 : i32
    %dma_start3A_134 = tpu.memref_slice %arg6[%mul3A_2, %dma_start3A_133] : memref<16384x192xf32, #tpu.memory_space<hbm>> -> memref<512x64xf32, #tpu.memory_space<hbm>>
    %dma_start3A_135 = arith.constant 128 : i32
    %dma_start3A_136 = tpu.memref_slice %arg6[%mul3A_2, %dma_start3A_135] : memref<16384x192xf32, #tpu.memory_space<hbm>> -> memref<512x64xf32, #tpu.memory_space<hbm>>
    tpu.enqueue_dma source(%arg10 : memref<512x64xf32, #tpu.memory_space<vmem>>) target(%dma_start3A_136 : memref<512x64xf32, #tpu.memory_space<hbm>>) target_semaphore(%arg13 : memref<!tpu.dma_semaphore, #tpu.memory_space<semaphore_mem>>)
    %dma_wait3A_137 = arith.constant 0 : i32
    %dma_wait3A_138 = tpu.memref_slice %arg6[%mul3A_2, %dma_wait3A_137] : memref<16384x192xf32, #tpu.memory_space<hbm>> -> memref<512x128xf32, #tpu.memory_space<hbm>>
    %dma_wait3A_139 = arith.constant 0 : i32
    %dma_wait3A_140 = tpu.memref_slice %arg6[%mul3A_2, %dma_wait3A_139] : memref<16384x192xf32, #tpu.memory_space<hbm>> -> memref<512x128xf32, #tpu.memory_space<hbm>>
    tpu.wait_dma2 semaphore(%arg13 : memref<!tpu.dma_semaphore, #tpu.memory_space<semaphore_mem>>) src(%arg9 : memref<512x128xf32, #tpu.memory_space<vmem>>) dst(%dma_wait3A_140 : memref<512x128xf32, #tpu.memory_space<hbm>>)
    %dma_wait3A_141 = arith.constant 128 : i32
    %dma_wait3A_142 = tpu.memref_slice %arg6[%mul3A_2, %dma_wait3A_141] : memref<16384x192xf32, #tpu.memory_space<hbm>> -> memref<512x64xf32, #tpu.memory_space<hbm>>
    %dma_wait3A_143 = arith.constant 128 : i32
    %dma_wait3A_144 = tpu.memref_slice %arg6[%mul3A_2, %dma_wait3A_143] : memref<16384x192xf32, #tpu.memory_space<hbm>> -> memref<512x64xf32, #tpu.memory_space<hbm>>
    tpu.wait_dma2 semaphore(%arg13 : memref<!tpu.dma_semaphore, #tpu.memory_space<semaphore_mem>>) src(%arg10 : memref<512x64xf32, #tpu.memory_space<vmem>>) dst(%dma_wait3A_144 : memref<512x64xf32, #tpu.memory_space<hbm>>)
    return
  }
}

</mosaic_0001>

<sc_bundles>
// kernel: kernel.3.cloned.1.call-start
scs
__scs_entry_jumppad:
0x0: {  	(pc) =	sbr.rel $0x88, $3  }
0x1: {  	(tag) =	ssettag $0x0;
	lr =	simm.s32 $0x1  }
0x2: {  	[smem:$0x3F9D] =	sst lr;
	_ =	strace $0xD0000000  }
0x3: {  	_ = 	snop  }
0x4: {  	_ = 	snop  }
0x5: {  	_ = 	snop  }
0x6: {  	_ = 	snop  }
0x7: {  	_ = 	snop  }
__scs_overlays_trampoline_lowered:
0x8: {  	[smem:$0x3FAC] =	sst s0  }
0x9: {  	[smem:$0x3FAD] =	sst s1  }
0xa: {  	[smem:$0x3FAE] =	sst s2  }
0xb: {  	[smem:$0x3FAF] =	sst s3  }
0xc: {  	[smem:$0x3FB0] =	sst s4  }
0xd: {  	[smem:$0x3FB1] =	sst s5  }
0xe: {  	[smem:$0x3FB2] =	sst s6  }
0xf: {  	[smem:$0x3FB3] =	sst s7  }
0x10: {  	[smem:$0x3FB4] =	sst s8  }
0x11: {  	[smem:$0x3FB5] =	sst s9;
	s0 =	simm.s32 @!p0 $0x0  }
0x12: {  	s1 =	sld [smem:$0x3F9B];
	s0 =	simm.s32 @p0 $0x1  }
0x13: {  	[smem:$0x3FB6] =	sst s0;
	s0 =	simm.s32 @!p1 $0x0  }
0x14: {  	s2 =	sld [smem:$0x3F9A];
	s0 =	simm.s32 @p1 $0x1  }
0x15: {  	[smem:$0x3FB7] =	sst s0;
	s0 =	simm.s32 @!p2 $0x0  }
0x16: {  	s3 =	sld [smem:$0x3FDB];
	s0 =	simm.s32 @p2 $0x1  }
0x17: {  	s4 =	simm.s32 $0x1BF5;
	[smem:$0x3FB9] =	sst s0  }
0x18: {  	s0 =	sld [smem:$0x3F9C];
	_ =	swait.ge [sflag:s4], $0x0  }
0x19: {  	s7 =	sld [smem:$0x3F9D]  }
0x1a: {  	s8 =	sadd.s32 $0xFFFFE003, lr  }
0x1b: {  	s9 =	sadd.s32 $0xFFFFFEF7, lr;
	s5 =	simm.s32 $0xFFFFFFFF;
	p2 =	slt.u32 s8, $0xFFFFF086  }
0x1c: {  	p1 =	slt.u32 s9, $0xF7A;
	s5 =	simm.s32 @!p2 $0x0  }
0x1d: {  	s5 =	simm.s32 @p1 $0x1;
	p0 =	seq.s32 s7, s2  }
0x1e: {  	s7 =	smul.u32 @!p0 $0xF7A, s2;
	p2 =	seq.s32 @!p0 s5, $0x0  }
0x1f: {  	s9 =	smul.u32 $0xF7A, s1;
	s8 =	simm.s32 @!p0 $0x1BF5;
	p2 =	por !p2, p0  }
0x20: {  	[sflag:s8] =	ssyncset.s32 @!p0 $0xFFFFF086;
	s6 =	sadd.s32 @!p0 s3, s7;
	s7 =	simm.s32 @!p0 $0x108  }
0x21: {  	s3 =	sadd.s32 s3, s9;
	s6 =	sadd.s32 @!p0 $0x88, s6;
	s7 =	simm.s32 @p2 $0x1082  }
0x22: {  	[simem:s7], [sflag:s8] =	dma.local @!p0 [hbm:s6], $0xF7A  }
0x23: {  	s9 =	sor.u32 $0xD0000000, s2;
	s6 =	simm.s32 $0x108;
	_ =	swait.ge @!p0 [sflag:s8], $0x0  }
0x24: {  	s3 =	sadd.s32 $0x88, s3;
	s6 =	simm.s32 @!p1 $0x1082;
	[sflag:s4] =	ssyncset.s32 $0xFFFFF086  }
0x25: {  	[simem:s6], [sflag:s4] =	dma.local [hbm:s3], $0xF7A  }
0x26: {  	[smem:$0x3F9D] =	sst s1;
	(tag) =	ssettag s2;
	_ =	strace s9  }
0x27: {  	s1 =	sld [smem:$0x3FAD]  }
0x28: {  	s2 =	sld [smem:$0x3FAE]  }
0x29: {  	s4 =	sld [smem:$0x3FB0]  }
0x2a: {  	p0 =	seq.s32 s5, $0x0;
	s5 =	sld [smem:$0x3FB1]  }
0x2b: {  	s6 =	sld [smem:$0x3FB2]  }
0x2c: {  	s7 =	sld [smem:$0x3FB3]  }
0x2d: {  	s3 =	simm.s32 $0x108;
	s8 =	sld [smem:$0x3FB4]  }
0x2e: {  	s3 =	simm.s32 @!p0 $0x1082;
	s9 =	sld [smem:$0x3FB5]  }
0x2f: {  	lr =	sadd.s32 s0, s3;
	s0 =	sld [smem:$0x3FAC]  }
0x30: {  	s3 =	sld [smem:$0x3FAF]  }
0x31: {  	[smem:$0x3FB8] =	sst s10  }
0x32: {  	s10 =	sld [smem:$0x3FB6];
	_ =	sdelay $0x3  }
0x33: {  	p0 =	seq.s32 s10, $0x1;
	s10 =	sld [smem:$0x3FB8];
	_ =	sdelay $0x3  }
0x34: {  	[smem:$0x3FB8] =	sst s10  }
0x35: {  	s10 =	sld [smem:$0x3FB7];
	_ =	sdelay $0x3  }
0x36: {  	p1 =	seq.s32 s10, $0x1;
	s10 =	sld [smem:$0x3FB8];
	_ =	sdelay $0x3  }
0x37: {  	[smem:$0x3FB8] =	sst s10  }
0x38: {  	s10 =	sld [smem:$0x3FB9]  }
0x39: {  	_ = 	snop;
	(pc) =	sbr.ind lr, $3  }
0x3a: {  	_ = 	snop  }
0x3b: {  	_ = 	snop  }
0x3c: {  	p2 =	seq.s32 s10, $0x1;
	s10 =	sld [smem:$0x3FB8]  }
0x3d: {  	_ =	shalt  }
0x3e: {  	_ =	shalt  }
0x3f: {  	_ =	shalt  }
0x40: {  	_ =	shalt  }
0x41: {  	_ =	shalt  }
0x42: {  	_ =	shalt  }
0x43: {  	_ =	shalt  }
0x44: {  	_ =	shalt  }
0x45: {  	_ =	shalt  }
0x46: {  	_ =	shalt  }
0x47: {  	_ =	shalt  }
0x48: {  	_ =	shalt  }
0x49: {  	_ =	shalt  }
0x4a: {  	_ =	shalt  }
0x4b: {  	_ =	shalt  }
0x4c: {  	_ =	shalt  }
0x4d: {  	_ =	shalt  }
0x4e: {  	_ =	shalt  }
0x4f: {  	_ =	shalt  }
0x50: {  	_ =	shalt  }
0x51: {  	_ =	shalt  }
0x52: {  	_ =	shalt  }
0x53: {  	_ =	shalt  }
0x54: {  	_ =	shalt  }
0x55: {  	_ =	shalt  }
0x56: {  	_ =	shalt  }
0x57: {  	_ =	shalt  }
0x58: {  	_ =	shalt  }
0x59: {  	_ =	shalt  }
0x5a: {  	_ =	shalt  }
0x5b: {  	_ =	shalt  }
0x5c: {  	_ =	shalt  }
0x5d: {  	_ =	shalt  }
0x5e: {  	_ =	shalt  }
0x5f: {  	_ =	shalt  }
0x60: {  	_ =	shalt  }
0x61: {  	_ =	shalt  }
0x62: {  	_ =	shalt  }
0x63: {  	_ =	shalt  }
0x64: {  	_ =	shalt  }
0x65: {  	_ =	shalt  }
0x66: {  	_ =	shalt  }
0x67: {  	_ =	shalt  }
0x68: {  	_ =	shalt  }
0x69: {  	_ =	shalt  }
0x6a: {  	_ =	shalt  }
0x6b: {  	_ =	shalt  }
0x6c: {  	_ =	shalt  }
0x6d: {  	_ =	shalt  }
0x6e: {  	_ =	shalt  }
0x6f: {  	_ =	shalt  }
0x70: {  	_ =	shalt  }
0x71: {  	_ =	shalt  }
0x72: {  	_ =	shalt  }
0x73: {  	_ =	shalt  }
0x74: {  	_ =	shalt  }
0x75: {  	_ =	shalt  }
0x76: {  	_ =	shalt  }
0x77: {  	_ =	shalt  }
0x78: {  	_ =	shalt  }
0x79: {  	_ =	shalt  }
0x7a: {  	_ =	shalt  }
0x7b: {  	_ =	shalt  }
0x7c: {  	_ =	shalt  }
0x7d: {  	_ =	shalt  }
0x7e: {  	_ =	shalt  }
0x7f: {  	_ =	shalt  }
0x80: {  	_ =	shalt  }
0x81: {  	_ =	shalt  }
0x82: {  	_ =	shalt  }
0x83: {  	_ =	shalt  }
0x84: {  	_ =	shalt  }
0x85: {  	_ =	shalt  }
0x86: {  	_ =	shalt  }
0x87: {  	_ =	shalt  }
.Lfunc_end0:
.L_simem_size_0:
called_computation_lowered:
.L_overlay_start_0:
0x88: {  	s2 =	sld [smem:$0x3FD9]  }
0x89: {  	s3 =	sld [smem:$0x3FFE];
	_ =	sdelay $0x1  }
0x8a: {  	s1 =	srdreg.scid  }
0x8b: {  	s0 =	sand.u32 $0x1, s1  }
0x8c: {  	s17 =	sshll.u32 s0, $0xA;
	s2 =	sadd.s32 s3, s2  }
0x8d: {  	s2 =	sadd.s32 s2, s17  }
0x8e: {  	[smem:$0x3FC4] =	sst s2  }
0x8f: {  	_ = 	snop  }
0x90: {  	s2 =	sld [smem:$0x3FC9]  }
0x91: {  	s18 =	sld [smem:$0x3FC8]  }
0x92: {  	s4 =	sld [smem:$0x3FC7]  }
0x93: {  	s5 =	sld [smem:$0x3FD0];
	(tm) =	ssettm $0x1  }
0x94: {  	s6 =	sld [smem:$0x3FFB];
	_ =	sdelay $0x3  }
0x95: {  	_ =	strace s6  }
0x96: {  	s6 =	sld [smem:$0x3FFC];
	_ =	sdelay $0x3  }
0x97: {  	_ =	strace s6  }
0x98: {  	s6 =	sld [smem:$0x3FFD];
	_ =	sdelay $0x3  }
0x99: {  	_ =	strace s6  }
0x9a: {  	_ =	strace $0x8FFFFFFF  }
0x9b: {  	s19 =	sld [smem:$0x3FDB];
	_ =	sdelay $0x1  }
0x9c: {  	s7 =	simm.s32 $_scs_section_size  }
0x9d: {  	s8 =	simm.s32 $_size__tile_overlayer_lowered;
	s9 =	simm.s32 $_tile_overlayer_lowered  }
0x9e: {  	s22 =	simm.s32 $0x1BFF;
	s21 =	sshll.u32 s9, $0x1;
	s6 =	sadd.s32 s7, s19  }
0x9f: {  	s10 =	simm.s32 $0x0;
	s20 =	sshll.u32 s8, $0x1;
	s8 =	sadd.s32 s21, s6  }
0xa0: {  	[timem:s10], [sflag:s22] =	dma.local [hbm:s8], s20  }
0xa1: {  	_ =	swait.ge [sflag:s22], s20  }
0xa2: {  	s7 =	ssub.s32 $0x0, s20;
	[sflag:s22] =	ssyncset.done $0x0  }
0xa3: {  	[sflag:s22] =	ssyncadd.s32 s7;
	_ =	sdelay $0x1  }
0xa4: {  	s23 =	simm.s32 $0x1B8B  }
0xa5: {  	_ =	swait.ge [sflag:s23], $0x1  }
0xa6: {  	[sflag:s23] =	ssyncset.done $0x0  }
0xa7: {  	s25 =	simm.s32 $0x1B8E;
	s24 =	sld [smem:$0x3FFE];
	[sflag:s23] =	ssyncadd.s32 $0xFFFFFFFF  }
0xa8: {  	s26 =	simm.s32 $execute0_lowered;
	[smem:$0x3FD2] =	sst s25  }
0xa9: {  	s8 =	sshll.u32 s26, $0x1;
	_ =	strace $0x80000046;
	[dreg:$0x1] =	wrdreg $0xFFFFFFFF  }
0xaa: {  	s28 =	simm.s32 $_size_execute0_lowered;
	s6 =	sadd.s32 s6, s8;
	[dreg:$0x0] =	wrdreg $0x0  }
0xab: {  	s8 =	sshll.u32 s28, $0x1;
	[dreg:$0x2] =	wrdreg s6  }
0xac: {  	[dreg:$0x3] =	wrdreg s8  }
0xad: {  	[dreg:$0x4] =	wrdreg $0xC0  }
0xae: {  	_ =	task [dreg:s10], $0x5FFFF  }
0xaf: {  	[dreg:$0x1] =	wrdreg $0xFFFFFFFF  }
0xb0: {  	[dreg:$0x0] =	wrdreg $0x60  }
0xb1: {  	[dreg:$0x2] =	wrdreg s2  }
0xb2: {  	[dreg:$0x3] =	wrdreg s18  }
0xb3: {  	[dreg:$0x4] =	wrdreg s4  }
0xb4: {  	[dreg:$0x5] =	wrdreg s24  }
0xb5: {  	[dreg:$0x6] =	wrdreg s5  }
0xb6: {  	[dreg:$0x7] =	wrdreg $0x9  }
0xb7: {  	_ =	task.clear_ibuf [dreg:s10], $0x8FFFF;
	_ =	strace $0x90000046  }
0xb8: {  	s29 =	simm.s32 $0x9;
	_ =	strace $0x80000048  }
0xb9: {  	_ =	swait.ge [sflag:s29], $0x1  }
0xba: {  	[sflag:s29] =	ssyncadd.s32 $0xFFFFFFFF  }
0xbb: {  	_ =	strace $0x90000048  }
0xbc: {  	_ =	sfence  }
0xbd: {  	s30 =	sld [smem:$0x0];
	_ =	sdelay $0x2  }
0xbe: {  	s31 =	sshll.u32 s1, $0xD;
	s1 =	sshrl.u32 s1, $0x2  }
0xbf: {  	s3 =	sand.u32 $0x4000, s31;
	s1 =	sadd.s32 s1, s30  }
0xc0: {  	s0 =	sor.u32 s3, s0;
	s1 =	sshll.u32 s1, $0x11  }
0xc1: {  	s0 =	sor.u32 s1, s0  }
0xc2: {  	s0 =	sadd.s32 $0x8F2B, s0  }
0xc3: {  	[sflag:s0] =	ssyncadd.remote.s32 $0x1  }
0xc4: {  	_ =	sfence.sel $0xFFFF  }
0xc5: {  	[dreg:$0x0] =	wrdreg $0xFFFFFFFF;
	(pc) =	sbr.abs _section_cstart, $3  }
0xc6: {  	[dreg:$0x1] =	wrdreg $0xFFFFFFFF  }
0xc7: {  	_ =	task.clear_ibuf [dreg:s10], $0x2FFFF;
	_ =	strace $0x9FFFFFFF  }
0xc8: {  	(tm) =	ssettm $0x7FFFFFFF  }
0xc9: {  	_ =	shalt  }
tec
execute0_lowered:
.L_overlay_start_1:
0x0: {  	(tag) =	ssettag $0x1  }
0x1: {  	s4 =	rddreg [dreg:$0x0]  }
0x2: {  	s6 =	rddreg [dreg:$0x1];
	s2 =	srdreg.scid  }
0x3: {  	s1 =	rddreg [dreg:$0x2];
	s0 =	stileid.u32;
	s30 =	sand.u32 $0x1, s2  }
0x4: {  	s10 =	rddreg [dreg:$0x3];
	s5 =	sshll.u32 s0, $0xA;
	s7 =	sshll.u32 s30, $0x9  }
0x5: {  	s24 =	rddreg [dreg:$0x4];
	s3 =	simm.s32 $0x0;
	s25 =	sor.u32 s7, s5  }
0x6: {  	[smem:$0x7FF] =	sst s3;
	s7 =	sshrl.u32 s25, $0x3  }
0x7: {  	_ =	strace $0x80000047;
	s5 =	simm.s32 $0x4;
	s4 =	sadd.s32 s4, s7  }
0x8: {  	[tilespmem:s3], [sflag:$0x4] =	stream.linear.gather [hbm4b:s4+s3], $0x200, $0x38;
	[tilespmem:$0x18400] =	vst v63  }
0x9: {  	_ =	swait.ge [sflag:s5], $0x200  }
0xa: {  	[sflag:s5] =	ssyncset.done $0x0  }
0xb: {  	s6 =	sadd.s32 s6, s7;
	s7 =	simm.s32 $0x200;
	[sflag:s5] =	ssyncadd.s32 $0xFFFFFE00  }
0xc: {  	[tilespmem:s7], [sflag:$0x4] =	stream.linear.gather [hbm4b:s6+s3], $0x200, $0x38;
	[tilespmem:$0x18400] =	vst v63  }
0xd: {  	_ =	swait.ge [sflag:s5], $0x200  }
0xe: {  	[sflag:s5] =	ssyncset.done $0x0  }
0xf: {  	s8 =	simm.s32 $0x80;
	s9 =	simm.s32 $0x400;
	[sflag:s5] =	ssyncadd.s32 $0xFFFFFE00  }
0x10: {  	[tilespmem:s9], [sflag:$0x1] =	stream.indirect.gather [hbm4b:s1+s8], $0x80, s3, s8, $0xb8;
	[tilespmem:$0x18400] =	vst v63  }
0x11: {  	s11 =	simm.s32 $0x10400;
	s10 =	sadd.s32 $0x186E00, s10  }
0x12: {  	[tilespmem:s11], [sflag:$0x2] =	stream.indirect.gather [hbm4b:s10+s8], $0x40, s7, s8, $0xb8;
	[tilespmem:$0x18400] =	vst v63  }
0x13: {  	s12 =	simm.s32 $0x4400  }
0x14: {  	[tilespmem:s12], [sflag:$0x1] =	stream.indirect.gather [hbm4b:s1+s8], $0x80, s8, s8, $0xb8;
	[tilespmem:$0x18400] =	vst v63  }
0x15: {  	s13 =	simm.s32 $0x280;
	s14 =	simm.s32 $0x12400  }
0x16: {  	[tilespmem:s14], [sflag:$0x2] =	stream.indirect.gather [hbm4b:s10+s8], $0x40, s13, s8, $0xb8;
	[tilespmem:$0x18400] =	vst v63  }
0x17: {  	s15 =	simm.s32 $0x100;
	s16 =	simm.s32 $0x8400  }
0x18: {  	[tilespmem:s16], [sflag:$0x1] =	stream.indirect.gather [hbm4b:s1+s8], $0x80, s15, s8, $0xb8;
	[tilespmem:$0x18400] =	vst v63  }
0x19: {  	s17 =	simm.s32 $0x300;
	s18 =	simm.s32 $0x14400  }
0x1a: {  	[tilespmem:s18], [sflag:$0x2] =	stream.indirect.gather [hbm4b:s10+s8], $0x40, s17, s8, $0xb8;
	[tilespmem:$0x18400] =	vst v63  }
0x1b: {  	s19 =	simm.s32 $0x180;
	s20 =	simm.s32 $0xC400  }
0x1c: {  	[tilespmem:s20], [sflag:$0x1] =	stream.indirect.gather [hbm4b:s1+s8], $0x80, s19, s8, $0xb8;
	[tilespmem:$0x18400] =	vst v63  }
0x1d: {  	s21 =	simm.s32 $0x380;
	s22 =	simm.s32 $0x16400;
	s23 =	simm.s32 $0x1  }
0x1e: {  	[tilespmem:s22], [sflag:$0x2] =	stream.indirect.gather [hbm4b:s10+s8], $0x40, s21, s8, $0xb8;
	[tilespmem:$0x18400] =	vst v63  }
0x1f: {  	_ =	swait.ge [sflag:s23], $0x4000  }
0x20: {  	[sflag:s23] =	ssyncset.done $0x0  }
0x21: {  	[sflag:s23] =	ssyncadd.s32 $0xFFFFC000  }
0x22: {  	_ =	swait.ge [sflag:s23], $0x4000  }
0x23: {  	[sflag:s23] =	ssyncset.done $0x0  }
0x24: {  	[sflag:s23] =	ssyncadd.s32 $0xFFFFC000  }
0x25: {  	_ =	swait.ge [sflag:s23], $0x4000  }
0x26: {  	[sflag:s23] =	ssyncset.done $0x0  }
0x27: {  	[sflag:s23] =	ssyncadd.s32 $0xFFFFC000  }
0x28: {  	s25 =	smul.u32 $0x18, s25;
	_ =	swait.ge [sflag:s23], $0x4000  }
0x29: {  	s26 =	simm.s32 $0x2;
	[sflag:s23] =	ssyncset.done $0x0  }
0x2a: {  	s24 =	sadd.s32 s24, s25;
	s25 =	simm.s32 $0xC0;
	[sflag:s23] =	ssyncadd.s32 $0xFFFFC000  }
0x2b: {  	[hbm4b:s24+s8] =	stream.strided.scatter [tilespmem:s9], [sflag:$0x3], $0x10000, s25, s8, $0x38;
	[tilespmem:$0x18400] =	vst v63  }
0x2c: {  	_ =	swait.ge [sflag:s26], $0x2000  }
0x2d: {  	[sflag:s26] =	ssyncset.done $0x0  }
0x2e: {  	[sflag:s26] =	ssyncadd.s32 $0xFFFFE000  }
0x2f: {  	_ =	swait.ge [sflag:s26], $0x2000  }
0x30: {  	[sflag:s26] =	ssyncset.done $0x0  }
0x31: {  	[sflag:s26] =	ssyncadd.s32 $0xFFFFE000  }
0x32: {  	_ =	swait.ge [sflag:s26], $0x2000  }
0x33: {  	s31 =	ssub.s32 $0x2, s30;
	[sflag:s26] =	ssyncset.done $0x0  }
0x34: {  	s2 =	sshrl.u32 s31, $0x1;
	[sflag:s26] =	ssyncadd.s32 $0xFFFFE000  }
0x35: {  	s29 =	simm.s32 $0x40;
	s2 =	ssub.s32 s31, s2;
	_ =	swait.ge [sflag:s26], $0x2000  }
0x36: {  	s30 =	simm.s32 $0x3;
	s2 =	smax.u32 s2, $0x1;
	[sflag:s26] =	ssyncset.done $0x0  }
0x37: {  	p0 =	sne.s32 s2, $0x1;
	s28 =	sadd.s32 $0x10, s24;
	[sflag:s26] =	ssyncadd.s32 $0xFFFFE000  }
0x38: {  	[hbm4b:s28+s29] =	stream.strided.scatter [tilespmem:s11], [sflag:$0x3], $0x8000, s25, s29, $0x38;
	[tilespmem:$0x18400] =	vst v63  }
.Ltmp0:
0x39: {  	_ =	swait.ge [sflag:s30], $0x10000;
	(pc) =	sbr.rel @!p0 .LBB2_2-.Ltmp0, $4  }
0x3a: {  	[sflag:s30] =	ssyncset.done $0x0  }
0x3b: {  	[sflag:s30] =	ssyncadd.s32 $0xFFFF0000  }
0x3c: {  	_ =	swait.ge [sflag:s30], $0x8000  }
0x3d: {  	s31 =	sadd.s32 $0xFFFFFFFF, s2;
	[sflag:s30] =	ssyncset.done $0x0  }
.LBB2_1:
0x3e: {  	p0 =	sne.s32 s31, $0x1;
	s31 =	sadd.s32 $0xFFFFFFFF, s31;
	[sflag:s30] =	ssyncadd.s32 $0xFFFF8000  }
0x3f: {  	[tilespmem:s3], [sflag:$0x4] =	stream.linear.gather [hbm4b:s4+s3], $0x200, $0x38;
	[tilespmem:$0x18400] =	vst v63  }
0x40: {  	_ =	swait.ge [sflag:s5], $0x200  }
0x41: {  	[sflag:s5] =	ssyncset.done $0x0  }
0x42: {  	[sflag:s5] =	ssyncadd.s32 $0xFFFFFE00  }
0x43: {  	[tilespmem:s7], [sflag:$0x4] =	stream.linear.gather [hbm4b:s6+s3], $0x200, $0x38;
	[tilespmem:$0x18400] =	vst v63  }
0x44: {  	_ =	swait.ge [sflag:s5], $0x200  }
0x45: {  	[sflag:s5] =	ssyncset.done $0x0  }
0x46: {  	[sflag:s5] =	ssyncadd.s32 $0xFFFFFE00  }
0x47: {  	[tilespmem:s9], [sflag:$0x1] =	stream.indirect.gather [hbm4b:s1+s8], $0x80, s3, s8, $0xb8;
	[tilespmem:$0x18400] =	vst v63  }
0x48: {  	_ = 	snop  }
0x49: {  	[tilespmem:s11], [sflag:$0x2] =	stream.indirect.gather [hbm4b:s10+s8], $0x40, s7, s8, $0xb8;
	[tilespmem:$0x18400] =	vst v63  }
0x4a: {  	_ = 	snop  }
0x4b: {  	[tilespmem:s12], [sflag:$0x1] =	stream.indirect.gather [hbm4b:s1+s8], $0x80, s8, s8, $0xb8;
	[tilespmem:$0x18400] =	vst v63  }
0x4c: {  	_ = 	snop  }
0x4d: {  	[tilespmem:s14], [sflag:$0x2] =	stream.indirect.gather [hbm4b:s10+s8], $0x40, s13, s8, $0xb8;
	[tilespmem:$0x18400] =	vst v63  }
0x4e: {  	_ = 	snop  }
0x4f: {  	[tilespmem:s16], [sflag:$0x1] =	stream.indirect.gather [hbm4b:s1+s8], $0x80, s15, s8, $0xb8;
	[tilespmem:$0x18400] =	vst v63  }
0x50: {  	_ = 	snop  }
0x51: {  	[tilespmem:s18], [sflag:$0x2] =	stream.indirect.gather [hbm4b:s10+s8], $0x40, s17, s8, $0xb8;
	[tilespmem:$0x18400] =	vst v63  }
0x52: {  	_ = 	snop  }
0x53: {  	[tilespmem:s20], [sflag:$0x1] =	stream.indirect.gather [hbm4b:s1+s8], $0x80, s19, s8, $0xb8;
	[tilespmem:$0x18400] =	vst v63  }
0x54: {  	_ = 	snop  }
0x55: {  	[tilespmem:s22], [sflag:$0x2] =	stream.indirect.gather [hbm4b:s10+s8], $0x40, s21, s8, $0xb8;
	[tilespmem:$0x18400] =	vst v63  }
0x56: {  	_ =	swait.ge [sflag:s23], $0x4000  }
0x57: {  	[sflag:s23] =	ssyncset.done $0x0  }
0x58: {  	[sflag:s23] =	ssyncadd.s32 $0xFFFFC000  }
0x59: {  	_ =	swait.ge [sflag:s23], $0x4000  }
0x5a: {  	[sflag:s23] =	ssyncset.done $0x0  }
0x5b: {  	[sflag:s23] =	ssyncadd.s32 $0xFFFFC000  }
0x5c: {  	_ =	swait.ge [sflag:s23], $0x4000  }
0x5d: {  	[sflag:s23] =	ssyncset.done $0x0  }
0x5e: {  	[sflag:s23] =	ssyncadd.s32 $0xFFFFC000  }
0x5f: {  	_ =	swait.ge [sflag:s23], $0x4000  }
0x60: {  	[sflag:s23] =	ssyncset.done $0x0  }
0x61: {  	[sflag:s23] =	ssyncadd.s32 $0xFFFFC000  }
0x62: {  	[hbm4b:s24+s8] =	stream.strided.scatter [tilespmem:s9], [sflag:$0x3], $0x10000, s25, s8, $0x38;
	[tilespmem:$0x18400] =	vst v63  }
0x63: {  	_ =	swait.ge [sflag:s26], $0x2000  }
0x64: {  	[sflag:s26] =	ssyncset.done $0x0  }
0x65: {  	[sflag:s26] =	ssyncadd.s32 $0xFFFFE000  }
0x66: {  	_ =	swait.ge [sflag:s26], $0x2000  }
0x67: {  	[sflag:s26] =	ssyncset.done $0x0  }
0x68: {  	[sflag:s26] =	ssyncadd.s32 $0xFFFFE000  }
0x69: {  	_ =	swait.ge [sflag:s26], $0x2000  }
0x6a: {  	[sflag:s26] =	ssyncset.done $0x0  }
0x6b: {  	[sflag:s26] =	ssyncadd.s32 $0xFFFFE000  }
0x6c: {  	_ =	swait.ge [sflag:s26], $0x2000  }
0x6d: {  	[sflag:s26] =	ssyncset.done $0x0  }
0x6e: {  	[sflag:s26] =	ssyncadd.s32 $0xFFFFE000  }
0x6f: {  	[hbm4b:s28+s29] =	stream.strided.scatter [tilespmem:s11], [sflag:$0x3], $0x8000, s25, s29, $0x38;
	[tilespmem:$0x18400] =	vst v63  }
.Ltmp1:
0x70: {  	_ =	swait.ge [sflag:s30], $0x10000;
	(pc) =	sbr.rel @p0 .LBB2_1-.Ltmp1, $4  }
0x71: {  	[sflag:s30] =	ssyncset.done $0x0  }
0x72: {  	[sflag:s30] =	ssyncadd.s32 $0xFFFF0000  }
0x73: {  	_ =	swait.ge [sflag:s30], $0x8000  }
0x74: {  	[sflag:s30] =	ssyncset.done $0x0  }
.LBB2_2:
0x75: {  	[sflag:s30] =	ssyncadd.s32 $0xFFFF8000  }
0x76: {  	_ =	sfence.sel $0x180000  }
0x77: {  	[bflag:$0x0] =	sbarrier.arrive $0xFFFF  }
0x78: {  	_ =	strace $0x90000047  }
0x79: {  	[bflag:$0x2] =	sbarrier.arrive $0xFFFF  }
0x7a: {  	p0 =	sne.s32 s0, $0x0;
	s0 =	rddreg [dreg:$0x5]  }
0x7b: {  	s0 =	sadd.s32 @!p0 $0x100000, s0  }
0x7c: {  	[sflag:s0] =	ssyncadd.tile.s32 @!p0 $0x1;
	_ =	shalt  }
.Lfunc_end2:
_tile_overlayer_lowered:
.L_overlay_start_2:
0x7d: {  	(tag) =	ssettag $0x2  }
0x7e: {  	s0 =	rddreg [dreg:$0x0];
	s2 =	stileid.u32  }
0x7f: {  	s1 =	rddreg [dreg:$0x1];
	p0 =	sne.s32 s2, $0x0  }
0x80: {  	s3 =	rddreg [dreg:$0x2];
	[bflag:$0x3] =	sbarrier.arrive $0xFFFF;
	s2 =	simm.s32 @!p0 $0x1C04  }
0x81: {  	[timem:s3], [sflag:s2] =	dma.local @!p0 [hbm:s0], s1  }
0x82: {  	s0 =	simm.s32 @!p0 $0x4  }
0x83: {  	_ =	swait.ge @!p0 [sflag:s0], s1  }
0x84: {  	s1 =	ssub.s32 @!p0 $0x0, s1;
	[sflag:s0] =	ssyncset.done @!p0 $0x0  }
0x85: {  	[sflag:s0] =	ssyncadd.s32 @!p0 s1  }
0x86: {  	[bflag:$0x3] =	sbarrier.arrive $0xFFFF  }
0x87: {  	_ =	shalt  }

</sc_bundles>
